<compile_context>
chip_gen: v7x
topology: tpu7x:2x2x1
jax: 0.10.2.dev20260603
libtpu: 0.0.44.dev20260713+nightly
codegen_flags: <defaults>
</compile_context>

<pallas_src>
import functools

import jax
import jax.numpy as jnp
from jax import lax
from jax.experimental import pallas as pl
from jax.experimental.pallas import tpu as pltpu
from jax.experimental.pallas import tpu_sc as plsc

_ROWS = 8
_N = 512
_LANES = 16
_CHUNKS = _N // _LANES

_MESH = plsc.VectorSubcoreMesh(
    core_axis_name="c", subcore_axis_name="s", num_cores=1
)


@functools.partial(
    pl.kernel,
    out_type=jax.ShapeDtypeStruct((_ROWS, _N), jnp.float32),
    mesh=_MESH,
    scratch_types=[
        pltpu.VMEM((_N,), jnp.float32),
        pltpu.VMEM((_N,), jnp.float32),
    ],
    compiler_params=pltpu.CompilerParams(needs_layout_passes=False),
)
def _sc_cumsum(d_hbm, out_hbm, row_v, acc_v):
    wid = lax.axis_index("s")

    @pl.when(wid < _ROWS)
    def _():
        pltpu.sync_copy(d_hbm.at[wid], row_v)
        carry = jnp.float32(0.0)
        for i in range(_CHUNKS):
            v = row_v[pl.ds(i * _LANES, _LANES)]
            acc_v[pl.ds(i * _LANES, _LANES)] = plsc.cumsum(v) + carry
            carry = carry + jnp.sum(v)
        pltpu.sync_copy(acc_v, out_hbm.at[wid])


def kernel(durations, phoneme, frame):
    del phoneme, frame
    return _sc_cumsum(durations)

# --- scband reference (transcript-rebuilt; emitter-appended) ---
"""Pipeline reference for scband-leanable-upsampler-82282983457321 (READ-ONLY COPY).

The authoritative reference and input builder live on the scoring server;
editing this copy changes nothing except your own understanding.
"""

import jax, jax.numpy as jnp
import numpy as np

def setup_inputs(seed: int = 0) -> dict:
    key = jax.random.key(seed)
    k1, k2, k3 = jax.random.split(key, 3)
    durations = jax.random.uniform(k1, (8, 512), dtype=jnp.float32) * 10.0
    phoneme = jax.random.normal(k2, (8, 256, 512), dtype=jnp.float32)
    frame = jax.random.normal(k3, (8, 256, 2048), dtype=jnp.float32)
    return {"durations": durations, "phoneme": phoneme, "frame": frame}

def reference(durations, phoneme, frame):
    # Faithful translation of the (truncated) torch forward: the module body
    # reads phone/frame lengths and computes the cumulative sum of durations.
    phone_length = phoneme.shape[-1]
    frame_length = frame.shape[-1]
    accumulated_durations = jnp.cumsum(durations, axis=-1)
    return accumulated_durations

if __name__ == "__main__":
    import jax
    _d = setup_inputs()
    print(jax.jit(kernel)(*tuple(_d.values())))

</pallas_src>

<mosaic_0001>
#map = affine_map<(d0, d1) -> (0, 0)>
module attributes {stable_mosaic.version = 14 : i64} {
  func.func @_sc_cumsum(%arg0: i32, %arg1: i32, %arg2: memref<8x512xf32, #tpu.memory_space<hbm>>, %arg3: memref<8x512xf32, #tpu.memory_space<hbm>>, %arg4: memref<512xf32, #tpu.memory_space<vmem>>, %arg5: memref<512xf32, #tpu.memory_space<vmem>>) attributes {dimension_semantics = [#tpu.dimension_semantics<core_parallel>, #tpu.dimension_semantics<subcore_parallel>], iteration_bounds = array<i64: 1, 16>, scalar_prefetch = 0 : i64, scratch_operands = 2 : i64, tpu.core_type = #tpu.core_type<sc_vector_subcore>, window_params = [{transform_indices = #map}, {transform_indices = #map}]} {
    %lt3A = arith.constant 8 : i32
    %lt3A_0 = arith.cmpi slt, %arg1, %lt3A : i32
    %convert_element_type3A = arith.extui %lt3A_0 : i1 to i32
    %cond3A = arith.constant 0 : i32
    %cond3A_1 = arith.cmpi ne, %convert_element_type3A, %cond3A : i32
    scf.if %cond3A_1 {
      "tpu.region"() ({
        %run_scoped3A = tpu.sem_alloc : memref<!tpu.dma_semaphore, #tpu.memory_space<semaphore_mem>>
        %dma_start3A = arith.constant 0 : i32
        %dma_start3A_446 = tpu.memref_slice %arg2[%arg1, %dma_start3A] : memref<8x512xf32, #tpu.memory_space<hbm>> -> memref<1x512xf32, #tpu.memory_space<hbm>>
        %dma_start3A_447 = tpu.memref_squeeze %dma_start3A_446 : memref<1x512xf32, #tpu.memory_space<hbm>> -> memref<512xf32, #tpu.memory_space<hbm>>
        %dma_start3A_448 = arith.constant 0 : i32
        %dma_start3A_449 = tpu.memref_slice %arg2[%arg1, %dma_start3A_448] : memref<8x512xf32, #tpu.memory_space<hbm>> -> memref<1x512xf32, #tpu.memory_space<hbm>>
        %dma_start3A_450 = tpu.memref_squeeze %dma_start3A_449 : memref<1x512xf32, #tpu.memory_space<hbm>> -> memref<512xf32, #tpu.memory_space<hbm>>
        tpu.enqueue_dma source(%dma_start3A_450 : memref<512xf32, #tpu.memory_space<hbm>>) target(%arg4 : memref<512xf32, #tpu.memory_space<vmem>>) target_semaphore(%run_scoped3A : memref<!tpu.dma_semaphore, #tpu.memory_space<semaphore_mem>>)
        %dma_wait3A = arith.constant 0 : i32
        %dma_wait3A_451 = tpu.memref_slice %arg2[%arg1, %dma_wait3A] : memref<8x512xf32, #tpu.memory_space<hbm>> -> memref<1x512xf32, #tpu.memory_space<hbm>>
        %dma_wait3A_452 = tpu.memref_squeeze %dma_wait3A_451 : memref<1x512xf32, #tpu.memory_space<hbm>> -> memref<512xf32, #tpu.memory_space<hbm>>
        %dma_wait3A_453 = arith.constant 0 : i32
        %dma_wait3A_454 = tpu.memref_slice %arg2[%arg1, %dma_wait3A_453] : memref<8x512xf32, #tpu.memory_space<hbm>> -> memref<1x512xf32, #tpu.memory_space<hbm>>
        %dma_wait3A_455 = tpu.memref_squeeze %dma_wait3A_454 : memref<1x512xf32, #tpu.memory_space<hbm>> -> memref<512xf32, #tpu.memory_space<hbm>>
        tpu.wait_dma2 semaphore(%run_scoped3A : memref<!tpu.dma_semaphore, #tpu.memory_space<semaphore_mem>>) src(%dma_wait3A_455 : memref<512xf32, #tpu.memory_space<hbm>>) dst(%arg4 : memref<512xf32, #tpu.memory_space<vmem>>)
        tpu.yield
      }) : () -> ()
      %get3A = arith.constant 0 : index
      %get3A_2 = tpu.vector_load %arg4[%get3A] {strides = array<i32>} : memref<512xf32, #tpu.memory_space<vmem>>, vector<16xf32>,
      %broadcast_in_dim3A = arith.constant true
      %broadcast_in_dim3A_3 = vector.broadcast %broadcast_in_dim3A : i1 to vector<16xi1>
      %masked_cumsum3A = tpu.scan <sum>, %get3A_2 masked %broadcast_in_dim3A_3 : vector<16xf32>, vector<16xi1> -> vector<16xf32>
      %add3A = arith.constant 0.000000e+00 : f32
      %add3A_4 = vector.broadcast %add3A : f32 to vector<16xf32>
      %add3A_5 = arith.addf %masked_cumsum3A, %add3A_4 : vector<16xf32>
      %swap3A = arith.constant 0 : index
      %swap3A_6 = tpu.vector_load %arg5[%swap3A] {strides = array<i32>} : memref<512xf32, #tpu.memory_space<vmem>>, vector<16xf32>,
      tpu.vector_store %arg5[%swap3A], %add3A_5 {strides = array<i32>} : memref<512xf32, #tpu.memory_space<vmem>>, vector<16xf32>,
      %reduce_sum3A = arith.constant true
      %reduce_sum3A_7 = vector.broadcast %reduce_sum3A : i1 to vector<16xi1>
      %reduce_sum3A_8 = tpu.scan <sum>, %get3A_2 masked %reduce_sum3A_7 : vector<16xf32>, vector<16xi1> -> vector<16xf32>
      %reduce_sum3A_9 = vector.extract %reduce_sum3A_8[15] : f32 from vector<16xf32>
      %add3A_10 = arith.constant 0.000000e+00 : f32
      %add3A_11 = arith.addf %add3A_10, %reduce_sum3A_9 : f32
      %get3A_12 = arith.constant 16 : index
      %get3A_13 = tpu.vector_load %arg4[%get3A_12] {strides = array<i32>} : memref<512xf32, #tpu.memory_space<vmem>>, vector<16xf32>,
      %broadcast_in_dim3A_14 = arith.constant true
      %broadcast_in_dim3A_15 = vector.broadcast %broadcast_in_dim3A_14 : i1 to vector<16xi1>
      %masked_cumsum3A_16 = tpu.scan <sum>, %get3A_13 masked %broadcast_in_dim3A_15 : vector<16xf32>, vector<16xi1> -> vector<16xf32>
      %add3A_17 = vector.broadcast %add3A_11 : f32 to vector<16xf32>
      %add3A_18 = arith.addf %masked_cumsum3A_16, %add3A_17 : vector<16xf32>
      %swap3A_19 = arith.constant 16 : index
      %swap3A_20 = tpu.vector_load %arg5[%swap3A_19] {strides = array<i32>} : memref<512xf32, #tpu.memory_space<vmem>>, vector<16xf32>,
      tpu.vector_store %arg5[%swap3A_19], %add3A_18 {strides = array<i32>} : memref<512xf32, #tpu.memory_space<vmem>>, vector<16xf32>,
      %reduce_sum3A_21 = arith.constant true
      %reduce_sum3A_22 = vector.broadcast %reduce_sum3A_21 : i1 to vector<16xi1>
      %reduce_sum3A_23 = tpu.scan <sum>, %get3A_13 masked %reduce_sum3A_22 : vector<16xf32>, vector<16xi1> -> vector<16xf32>
      %reduce_sum3A_24 = vector.extract %reduce_sum3A_23[15] : f32 from vector<16xf32>
      %add3A_25 = arith.addf %add3A_11, %reduce_sum3A_24 : f32
      %get3A_26 = arith.constant 32 : index
      %get3A_27 = tpu.vector_load %arg4[%get3A_26] {strides = array<i32>} : memref<512xf32, #tpu.memory_space<vmem>>, vector<16xf32>,
      %broadcast_in_dim3A_28 = arith.constant true
      %broadcast_in_dim3A_29 = vector.broadcast %broadcast_in_dim3A_28 : i1 to vector<16xi1>
      %masked_cumsum3A_30 = tpu.scan <sum>, %get3A_27 masked %broadcast_in_dim3A_29 : vector<16xf32>, vector<16xi1> -> vector<16xf32>
      %add3A_31 = vector.broadcast %add3A_25 : f32 to vector<16xf32>
      %add3A_32 = arith.addf %masked_cumsum3A_30, %add3A_31 : vector<16xf32>
      %swap3A_33 = arith.constant 32 : index
      %swap3A_34 = tpu.vector_load %arg5[%swap3A_33] {strides = array<i32>} : memref<512xf32, #tpu.memory_space<vmem>>, vector<16xf32>,
      tpu.vector_store %arg5[%swap3A_33], %add3A_32 {strides = array<i32>} : memref<512xf32, #tpu.memory_space<vmem>>, vector<16xf32>,
      %reduce_sum3A_35 = arith.constant true
      %reduce_sum3A_36 = vector.broadcast %reduce_sum3A_35 : i1 to vector<16xi1>
      %reduce_sum3A_37 = tpu.scan <sum>, %get3A_27 masked %reduce_sum3A_36 : vector<16xf32>, vector<16xi1> -> vector<16xf32>
      %reduce_sum3A_38 = vector.extract %reduce_sum3A_37[15] : f32 from vector<16xf32>
      %add3A_39 = arith.addf %add3A_25, %reduce_sum3A_38 : f32
      %get3A_40 = arith.constant 48 : index
      %get3A_41 = tpu.vector_load %arg4[%get3A_40] {strides = array<i32>} : memref<512xf32, #tpu.memory_space<vmem>>, vector<16xf32>,
      %broadcast_in_dim3A_42 = arith.constant true
      %broadcast_in_dim3A_43 = vector.broadcast %broadcast_in_dim3A_42 : i1 to vector<16xi1>
      %masked_cumsum3A_44 = tpu.scan <sum>, %get3A_41 masked %broadcast_in_dim3A_43 : vector<16xf32>, vector<16xi1> -> vector<16xf32>
      %add3A_45 = vector.broadcast %add3A_39 : f32 to vector<16xf32>
      %add3A_46 = arith.addf %masked_cumsum3A_44, %add3A_45 : vector<16xf32>
      %swap3A_47 = arith.constant 48 : index
      %swap3A_48 = tpu.vector_load %arg5[%swap3A_47] {strides = array<i32>} : memref<512xf32, #tpu.memory_space<vmem>>, vector<16xf32>,
      tpu.vector_store %arg5[%swap3A_47], %add3A_46 {strides = array<i32>} : memref<512xf32, #tpu.memory_space<vmem>>, vector<16xf32>,
      %reduce_sum3A_49 = arith.constant true
      %reduce_sum3A_50 = vector.broadcast %reduce_sum3A_49 : i1 to vector<16xi1>
      %reduce_sum3A_51 = tpu.scan <sum>, %get3A_41 masked %reduce_sum3A_50 : vector<16xf32>, vector<16xi1> -> vector<16xf32>
      %reduce_sum3A_52 = vector.extract %reduce_sum3A_51[15] : f32 from vector<16xf32>
      %add3A_53 = arith.addf %add3A_39, %reduce_sum3A_52 : f32
      %get3A_54 = arith.constant 64 : index
      %get3A_55 = tpu.vector_load %arg4[%get3A_54] {strides = array<i32>} : memref<512xf32, #tpu.memory_space<vmem>>, vector<16xf32>,
      %broadcast_in_dim3A_56 = arith.constant true
      %broadcast_in_dim3A_57 = vector.broadcast %broadcast_in_dim3A_56 : i1 to vector<16xi1>
      %masked_cumsum3A_58 = tpu.scan <sum>, %get3A_55 masked %broadcast_in_dim3A_57 : vector<16xf32>, vector<16xi1> -> vector<16xf32>
      %add3A_59 = vector.broadcast %add3A_53 : f32 to vector<16xf32>
      %add3A_60 = arith.addf %masked_cumsum3A_58, %add3A_59 : vector<16xf32>
      %swap3A_61 = arith.constant 64 : index
      %swap3A_62 = tpu.vector_load %arg5[%swap3A_61] {strides = array<i32>} : memref<512xf32, #tpu.memory_space<vmem>>, vector<16xf32>,
      tpu.vector_store %arg5[%swap3A_61], %add3A_60 {strides = array<i32>} : memref<512xf32, #tpu.memory_space<vmem>>, vector<16xf32>,
      %reduce_sum3A_63 = arith.constant true
      %reduce_sum3A_64 = vector.broadcast %reduce_sum3A_63 : i1 to vector<16xi1>
      %reduce_sum3A_65 = tpu.scan <sum>, %get3A_55 masked %reduce_sum3A_64 : vector<16xf32>, vector<16xi1> -> vector<16xf32>
      %reduce_sum3A_66 = vector.extract %reduce_sum3A_65[15] : f32 from vector<16xf32>
      %add3A_67 = arith.addf %add3A_53, %reduce_sum3A_66 : f32
      %get3A_68 = arith.constant 80 : index
      %get3A_69 = tpu.vector_load %arg4[%get3A_68] {strides = array<i32>} : memref<512xf32, #tpu.memory_space<vmem>>, vector<16xf32>,
      %broadcast_in_dim3A_70 = arith.constant true
      %broadcast_in_dim3A_71 = vector.broadcast %broadcast_in_dim3A_70 : i1 to vector<16xi1>
      %masked_cumsum3A_72 = tpu.scan <sum>, %get3A_69 masked %broadcast_in_dim3A_71 : vector<16xf32>, vector<16xi1> -> vector<16xf32>
      %add3A_73 = vector.broadcast %add3A_67 : f32 to vector<16xf32>
      %add3A_74 = arith.addf %masked_cumsum3A_72, %add3A_73 : vector<16xf32>
      %swap3A_75 = arith.constant 80 : index
      %swap3A_76 = tpu.vector_load %arg5[%swap3A_75] {strides = array<i32>} : memref<512xf32, #tpu.memory_space<vmem>>, vector<16xf32>,
      tpu.vector_store %arg5[%swap3A_75], %add3A_74 {strides = array<i32>} : memref<512xf32, #tpu.memory_space<vmem>>, vector<16xf32>,
      %reduce_sum3A_77 = arith.constant true
      %reduce_sum3A_78 = vector.broadcast %reduce_sum3A_77 : i1 to vector<16xi1>
      %reduce_sum3A_79 = tpu.scan <sum>, %get3A_69 masked %reduce_sum3A_78 : vector<16xf32>, vector<16xi1> -> vector<16xf32>
      %reduce_sum3A_80 = vector.extract %reduce_sum3A_79[15] : f32 from vector<16xf32>
      %add3A_81 = arith.addf %add3A_67, %reduce_sum3A_80 : f32
      %get3A_82 = arith.constant 96 : index
      %get3A_83 = tpu.vector_load %arg4[%get3A_82] {strides = array<i32>} : memref<512xf32, #tpu.memory_space<vmem>>, vector<16xf32>,
      %broadcast_in_dim3A_84 = arith.constant true
      %broadcast_in_dim3A_85 = vector.broadcast %broadcast_in_dim3A_84 : i1 to vector<16xi1>
      %masked_cumsum3A_86 = tpu.scan <sum>, %get3A_83 masked %broadcast_in_dim3A_85 : vector<16xf32>, vector<16xi1> -> vector<16xf32>
      %add3A_87 = vector.broadcast %add3A_81 : f32 to vector<16xf32>
      %add3A_88 = arith.addf %masked_cumsum3A_86, %add3A_87 : vector<16xf32>
      %swap3A_89 = arith.constant 96 : index
      %swap3A_90 = tpu.vector_load %arg5[%swap3A_89] {strides = array<i32>} : memref<512xf32, #tpu.memory_space<vmem>>, vector<16xf32>,
      tpu.vector_store %arg5[%swap3A_89], %add3A_88 {strides = array<i32>} : memref<512xf32, #tpu.memory_space<vmem>>, vector<16xf32>,
      %reduce_sum3A_91 = arith.constant true
      %reduce_sum3A_92 = vector.broadcast %reduce_sum3A_91 : i1 to vector<16xi1>
      %reduce_sum3A_93 = tpu.scan <sum>, %get3A_83 masked %reduce_sum3A_92 : vector<16xf32>, vector<16xi1> -> vector<16xf32>
      %reduce_sum3A_94 = vector.extract %reduce_sum3A_93[15] : f32 from vector<16xf32>
      %add3A_95 = arith.addf %add3A_81, %reduce_sum3A_94 : f32
      %get3A_96 = arith.constant 112 : index
      %get3A_97 = tpu.vector_load %arg4[%get3A_96] {strides = array<i32>} : memref<512xf32, #tpu.memory_space<vmem>>, vector<16xf32>,
      %broadcast_in_dim3A_98 = arith.constant true
      %broadcast_in_dim3A_99 = vector.broadcast %broadcast_in_dim3A_98 : i1 to vector<16xi1>
      %masked_cumsum3A_100 = tpu.scan <sum>, %get3A_97 masked %broadcast_in_dim3A_99 : vector<16xf32>, vector<16xi1> -> vector<16xf32>
      %add3A_101 = vector.broadcast %add3A_95 : f32 to vector<16xf32>
      %add3A_102 = arith.addf %masked_cumsum3A_100, %add3A_101 : vector<16xf32>
      %swap3A_103 = arith.constant 112 : index
      %swap3A_104 = tpu.vector_load %arg5[%swap3A_103] {strides = array<i32>} : memref<512xf32, #tpu.memory_space<vmem>>, vector<16xf32>,
      tpu.vector_store %arg5[%swap3A_103], %add3A_102 {strides = array<i32>} : memref<512xf32, #tpu.memory_space<vmem>>, vector<16xf32>,
      %reduce_sum3A_105 = arith.constant true
      %reduce_sum3A_106 = vector.broadcast %reduce_sum3A_105 : i1 to vector<16xi1>
      %reduce_sum3A_107 = tpu.scan <sum>, %get3A_97 masked %reduce_sum3A_106 : vector<16xf32>, vector<16xi1> -> vector<16xf32>
      %reduce_sum3A_108 = vector.extract %reduce_sum3A_107[15] : f32 from vector<16xf32>
      %add3A_109 = arith.addf %add3A_95, %reduce_sum3A_108 : f32
      %get3A_110 = arith.constant 128 : index
      %get3A_111 = tpu.vector_load %arg4[%get3A_110] {strides = array<i32>} : memref<512xf32, #tpu.memory_space<vmem>>, vector<16xf32>,
      %broadcast_in_dim3A_112 = arith.constant true
      %broadcast_in_dim3A_113 = vector.broadcast %broadcast_in_dim3A_112 : i1 to vector<16xi1>
      %masked_cumsum3A_114 = tpu.scan <sum>, %get3A_111 masked %broadcast_in_dim3A_113 : vector<16xf32>, vector<16xi1> -> vector<16xf32>
      %add3A_115 = vector.broadcast %add3A_109 : f32 to vector<16xf32>
      %add3A_116 = arith.addf %masked_cumsum3A_114, %add3A_115 : vector<16xf32>
      %swap3A_117 = arith.constant 128 : index
      %swap3A_118 = tpu.vector_load %arg5[%swap3A_117] {strides = array<i32>} : memref<512xf32, #tpu.memory_space<vmem>>, vector<16xf32>,
      tpu.vector_store %arg5[%swap3A_117], %add3A_116 {strides = array<i32>} : memref<512xf32, #tpu.memory_space<vmem>>, vector<16xf32>,
      %reduce_sum3A_119 = arith.constant true
      %reduce_sum3A_120 = vector.broadcast %reduce_sum3A_119 : i1 to vector<16xi1>
      %reduce_sum3A_121 = tpu.scan <sum>, %get3A_111 masked %reduce_sum3A_120 : vector<16xf32>, vector<16xi1> -> vector<16xf32>
      %reduce_sum3A_122 = vector.extract %reduce_sum3A_121[15] : f32 from vector<16xf32>
      %add3A_123 = arith.addf %add3A_109, %reduce_sum3A_122 : f32
      %get3A_124 = arith.constant 144 : index
      %get3A_125 = tpu.vector_load %arg4[%get3A_124] {strides = array<i32>} : memref<512xf32, #tpu.memory_space<vmem>>, vector<16xf32>,
      %broadcast_in_dim3A_126 = arith.constant true
      %broadcast_in_dim3A_127 = vector.broadcast %broadcast_in_dim3A_126 : i1 to vector<16xi1>
      %masked_cumsum3A_128 = tpu.scan <sum>, %get3A_125 masked %broadcast_in_dim3A_127 : vector<16xf32>, vector<16xi1> -> vector<16xf32>
      %add3A_129 = vector.broadcast %add3A_123 : f32 to vector<16xf32>
      %add3A_130 = arith.addf %masked_cumsum3A_128, %add3A_129 : vector<16xf32>
      %swap3A_131 = arith.constant 144 : index
      %swap3A_132 = tpu.vector_load %arg5[%swap3A_131] {strides = array<i32>} : memref<512xf32, #tpu.memory_space<vmem>>, vector<16xf32>,
      tpu.vector_store %arg5[%swap3A_131], %add3A_130 {strides = array<i32>} : memref<512xf32, #tpu.memory_space<vmem>>, vector<16xf32>,
      %reduce_sum3A_133 = arith.constant true
      %reduce_sum3A_134 = vector.broadcast %reduce_sum3A_133 : i1 to vector<16xi1>
      %reduce_sum3A_135 = tpu.scan <sum>, %get3A_125 masked %reduce_sum3A_134 : vector<16xf32>, vector<16xi1> -> vector<16xf32>
      %reduce_sum3A_136 = vector.extract %reduce_sum3A_135[15] : f32 from vector<16xf32>
      %add3A_137 = arith.addf %add3A_123, %reduce_sum3A_136 : f32
      %get3A_138 = arith.constant 160 : index
      %get3A_139 = tpu.vector_load %arg4[%get3A_138] {strides = array<i32>} : memref<512xf32, #tpu.memory_space<vmem>>, vector<16xf32>,
      %broadcast_in_dim3A_140 = arith.constant true
      %broadcast_in_dim3A_141 = vector.broadcast %broadcast_in_dim3A_140 : i1 to vector<16xi1>
      %masked_cumsum3A_142 = tpu.scan <sum>, %get3A_139 masked %broadcast_in_dim3A_141 : vector<16xf32>, vector<16xi1> -> vector<16xf32>
      %add3A_143 = vector.broadcast %add3A_137 : f32 to vector<16xf32>
      %add3A_144 = arith.addf %masked_cumsum3A_142, %add3A_143 : vector<16xf32>
      %swap3A_145 = arith.constant 160 : index
      %swap3A_146 = tpu.vector_load %arg5[%swap3A_145] {strides = array<i32>} : memref<512xf32, #tpu.memory_space<vmem>>, vector<16xf32>,
      tpu.vector_store %arg5[%swap3A_145], %add3A_144 {strides = array<i32>} : memref<512xf32, #tpu.memory_space<vmem>>, vector<16xf32>,
      %reduce_sum3A_147 = arith.constant true
      %reduce_sum3A_148 = vector.broadcast %reduce_sum3A_147 : i1 to vector<16xi1>
      %reduce_sum3A_149 = tpu.scan <sum>, %get3A_139 masked %reduce_sum3A_148 : vector<16xf32>, vector<16xi1> -> vector<16xf32>
      %reduce_sum3A_150 = vector.extract %reduce_sum3A_149[15] : f32 from vector<16xf32>
      %add3A_151 = arith.addf %add3A_137, %reduce_sum3A_150 : f32
      %get3A_152 = arith.constant 176 : index
      %get3A_153 = tpu.vector_load %arg4[%get3A_152] {strides = array<i32>} : memref<512xf32, #tpu.memory_space<vmem>>, vector<16xf32>,
      %broadcast_in_dim3A_154 = arith.constant true
      %broadcast_in_dim3A_155 = vector.broadcast %broadcast_in_dim3A_154 : i1 to vector<16xi1>
      %masked_cumsum3A_156 = tpu.scan <sum>, %get3A_153 masked %broadcast_in_dim3A_155 : vector<16xf32>, vector<16xi1> -> vector<16xf32>
      %add3A_157 = vector.broadcast %add3A_151 : f32 to vector<16xf32>
      %add3A_158 = arith.addf %masked_cumsum3A_156, %add3A_157 : vector<16xf32>
      %swap3A_159 = arith.constant 176 : index
      %swap3A_160 = tpu.vector_load %arg5[%swap3A_159] {strides = array<i32>} : memref<512xf32, #tpu.memory_space<vmem>>, vector<16xf32>,
      tpu.vector_store %arg5[%swap3A_159], %add3A_158 {strides = array<i32>} : memref<512xf32, #tpu.memory_space<vmem>>, vector<16xf32>,
      %reduce_sum3A_161 = arith.constant true
      %reduce_sum3A_162 = vector.broadcast %reduce_sum3A_161 : i1 to vector<16xi1>
      %reduce_sum3A_163 = tpu.scan <sum>, %get3A_153 masked %reduce_sum3A_162 : vector<16xf32>, vector<16xi1> -> vector<16xf32>
      %reduce_sum3A_164 = vector.extract %reduce_sum3A_163[15] : f32 from vector<16xf32>
      %add3A_165 = arith.addf %add3A_151, %reduce_sum3A_164 : f32
      %get3A_166 = arith.constant 192 : index
      %get3A_167 = tpu.vector_load %arg4[%get3A_166] {strides = array<i32>} : memref<512xf32, #tpu.memory_space<vmem>>, vector<16xf32>,
      %broadcast_in_dim3A_168 = arith.constant true
      %broadcast_in_dim3A_169 = vector.broadcast %broadcast_in_dim3A_168 : i1 to vector<16xi1>
      %masked_cumsum3A_170 = tpu.scan <sum>, %get3A_167 masked %broadcast_in_dim3A_169 : vector<16xf32>, vector<16xi1> -> vector<16xf32>
      %add3A_171 = vector.broadcast %add3A_165 : f32 to vector<16xf32>
      %add3A_172 = arith.addf %masked_cumsum3A_170, %add3A_171 : vector<16xf32>
      %swap3A_173 = arith.constant 192 : index
      %swap3A_174 = tpu.vector_load %arg5[%swap3A_173] {strides = array<i32>} : memref<512xf32, #tpu.memory_space<vmem>>, vector<16xf32>,
      tpu.vector_store %arg5[%swap3A_173], %add3A_172 {strides = array<i32>} : memref<512xf32, #tpu.memory_space<vmem>>, vector<16xf32>,
      %reduce_sum3A_175 = arith.constant true
      %reduce_sum3A_176 = vector.broadcast %reduce_sum3A_175 : i1 to vector<16xi1>
      %reduce_sum3A_177 = tpu.scan <sum>, %get3A_167 masked %reduce_sum3A_176 : vector<16xf32>, vector<16xi1> -> vector<16xf32>
      %reduce_sum3A_178 = vector.extract %reduce_sum3A_177[15] : f32 from vector<16xf32>
      %add3A_179 = arith.addf %add3A_165, %reduce_sum3A_178 : f32
      %get3A_180 = arith.constant 208 : index
      %get3A_181 = tpu.vector_load %arg4[%get3A_180] {strides = array<i32>} : memref<512xf32, #tpu.memory_space<vmem>>, vector<16xf32>,
      %broadcast_in_dim3A_182 = arith.constant true
      %broadcast_in_dim3A_183 = vector.broadcast %broadcast_in_dim3A_182 : i1 to vector<16xi1>
      %masked_cumsum3A_184 = tpu.scan <sum>, %get3A_181 masked %broadcast_in_dim3A_183 : vector<16xf32>, vector<16xi1> -> vector<16xf32>
      %add3A_185 = vector.broadcast %add3A_179 : f32 to vector<16xf32>
      %add3A_186 = arith.addf %masked_cumsum3A_184, %add3A_185 : vector<16xf32>
      %swap3A_187 = arith.constant 208 : index
      %swap3A_188 = tpu.vector_load %arg5[%swap3A_187] {strides = array<i32>} : memref<512xf32, #tpu.memory_space<vmem>>, vector<16xf32>,
      tpu.vector_store %arg5[%swap3A_187], %add3A_186 {strides = array<i32>} : memref<512xf32, #tpu.memory_space<vmem>>, vector<16xf32>,
      %reduce_sum3A_189 = arith.constant true
      %reduce_sum3A_190 = vector.broadcast %reduce_sum3A_189 : i1 to vector<16xi1>
      %reduce_sum3A_191 = tpu.scan <sum>, %get3A_181 masked %reduce_sum3A_190 : vector<16xf32>, vector<16xi1> -> vector<16xf32>
      %reduce_sum3A_192 = vector.extract %reduce_sum3A_191[15] : f32 from vector<16xf32>
      %add3A_193 = arith.addf %add3A_179, %reduce_sum3A_192 : f32
      %get3A_194 = arith.constant 224 : index
      %get3A_195 = tpu.vector_load %arg4[%get3A_194] {strides = array<i32>} : memref<512xf32, #tpu.memory_space<vmem>>, vector<16xf32>,
      %broadcast_in_dim3A_196 = arith.constant true
      %broadcast_in_dim3A_197 = vector.broadcast %broadcast_in_dim3A_196 : i1 to vector<16xi1>
      %masked_cumsum3A_198 = tpu.scan <sum>, %get3A_195 masked %broadcast_in_dim3A_197 : vector<16xf32>, vector<16xi1> -> vector<16xf32>
      %add3A_199 = vector.broadcast %add3A_193 : f32 to vector<16xf32>
      %add3A_200 = arith.addf %masked_cumsum3A_198, %add3A_199 : vector<16xf32>
      %swap3A_201 = arith.constant 224 : index
      %swap3A_202 = tpu.vector_load %arg5[%swap3A_201] {strides = array<i32>} : memref<512xf32, #tpu.memory_space<vmem>>, vector<16xf32>,
      tpu.vector_store %arg5[%swap3A_201], %add3A_200 {strides = array<i32>} : memref<512xf32, #tpu.memory_space<vmem>>, vector<16xf32>,
      %reduce_sum3A_203 = arith.constant true
      %reduce_sum3A_204 = vector.broadcast %reduce_sum3A_203 : i1 to vector<16xi1>
      %reduce_sum3A_205 = tpu.scan <sum>, %get3A_195 masked %reduce_sum3A_204 : vector<16xf32>, vector<16xi1> -> vector<16xf32>
      %reduce_sum3A_206 = vector.extract %reduce_sum3A_205[15] : f32 from vector<16xf32>
      %add3A_207 = arith.addf %add3A_193, %reduce_sum3A_206 : f32
      %get3A_208 = arith.constant 240 : index
      %get3A_209 = tpu.vector_load %arg4[%get3A_208] {strides = array<i32>} : memref<512xf32, #tpu.memory_space<vmem>>, vector<16xf32>,
      %broadcast_in_dim3A_210 = arith.constant true
      %broadcast_in_dim3A_211 = vector.broadcast %broadcast_in_dim3A_210 : i1 to vector<16xi1>
      %masked_cumsum3A_212 = tpu.scan <sum>, %get3A_209 masked %broadcast_in_dim3A_211 : vector<16xf32>, vector<16xi1> -> vector<16xf32>
      %add3A_213 = vector.broadcast %add3A_207 : f32 to vector<16xf32>
      %add3A_214 = arith.addf %masked_cumsum3A_212, %add3A_213 : vector<16xf32>
      %swap3A_215 = arith.constant 240 : index
      %swap3A_216 = tpu.vector_load %arg5[%swap3A_215] {strides = array<i32>} : memref<512xf32, #tpu.memory_space<vmem>>, vector<16xf32>,
      tpu.vector_store %arg5[%swap3A_215], %add3A_214 {strides = array<i32>} : memref<512xf32, #tpu.memory_space<vmem>>, vector<16xf32>,
      %reduce_sum3A_217 = arith.constant true
      %reduce_sum3A_218 = vector.broadcast %reduce_sum3A_217 : i1 to vector<16xi1>
      %reduce_sum3A_219 = tpu.scan <sum>, %get3A_209 masked %reduce_sum3A_218 : vector<16xf32>, vector<16xi1> -> vector<16xf32>
      %reduce_sum3A_220 = vector.extract %reduce_sum3A_219[15] : f32 from vector<16xf32>
      %add3A_221 = arith.addf %add3A_207, %reduce_sum3A_220 : f32
      %get3A_222 = arith.constant 256 : index
      %get3A_223 = tpu.vector_load %arg4[%get3A_222] {strides = array<i32>} : memref<512xf32, #tpu.memory_space<vmem>>, vector<16xf32>,
      %broadcast_in_dim3A_224 = arith.constant true
      %broadcast_in_dim3A_225 = vector.broadcast %broadcast_in_dim3A_224 : i1 to vector<16xi1>
      %masked_cumsum3A_226 = tpu.scan <sum>, %get3A_223 masked %broadcast_in_dim3A_225 : vector<16xf32>, vector<16xi1> -> vector<16xf32>
      %add3A_227 = vector.broadcast %add3A_221 : f32 to vector<16xf32>
      %add3A_228 = arith.addf %masked_cumsum3A_226, %add3A_227 : vector<16xf32>
      %swap3A_229 = arith.constant 256 : index
      %swap3A_230 = tpu.vector_load %arg5[%swap3A_229] {strides = array<i32>} : memref<512xf32, #tpu.memory_space<vmem>>, vector<16xf32>,
      tpu.vector_store %arg5[%swap3A_229], %add3A_228 {strides = array<i32>} : memref<512xf32, #tpu.memory_space<vmem>>, vector<16xf32>,
      %reduce_sum3A_231 = arith.constant true
      %reduce_sum3A_232 = vector.broadcast %reduce_sum3A_231 : i1 to vector<16xi1>
      %reduce_sum3A_233 = tpu.scan <sum>, %get3A_223 masked %reduce_sum3A_232 : vector<16xf32>, vector<16xi1> -> vector<16xf32>
      %reduce_sum3A_234 = vector.extract %reduce_sum3A_233[15] : f32 from vector<16xf32>
      %add3A_235 = arith.addf %add3A_221, %reduce_sum3A_234 : f32
      %get3A_236 = arith.constant 272 : index
      %get3A_237 = tpu.vector_load %arg4[%get3A_236] {strides = array<i32>} : memref<512xf32, #tpu.memory_space<vmem>>, vector<16xf32>,
      %broadcast_in_dim3A_238 = arith.constant true
      %broadcast_in_dim3A_239 = vector.broadcast %broadcast_in_dim3A_238 : i1 to vector<16xi1>
      %masked_cumsum3A_240 = tpu.scan <sum>, %get3A_237 masked %broadcast_in_dim3A_239 : vector<16xf32>, vector<16xi1> -> vector<16xf32>
      %add3A_241 = vector.broadcast %add3A_235 : f32 to vector<16xf32>
      %add3A_242 = arith.addf %masked_cumsum3A_240, %add3A_241 : vector<16xf32>
      %swap3A_243 = arith.constant 272 : index
      %swap3A_244 = tpu.vector_load %arg5[%swap3A_243] {strides = array<i32>} : memref<512xf32, #tpu.memory_space<vmem>>, vector<16xf32>,
      tpu.vector_store %arg5[%swap3A_243], %add3A_242 {strides = array<i32>} : memref<512xf32, #tpu.memory_space<vmem>>, vector<16xf32>,
      %reduce_sum3A_245 = arith.constant true
      %reduce_sum3A_246 = vector.broadcast %reduce_sum3A_245 : i1 to vector<16xi1>
      %reduce_sum3A_247 = tpu.scan <sum>, %get3A_237 masked %reduce_sum3A_246 : vector<16xf32>, vector<16xi1> -> vector<16xf32>
      %reduce_sum3A_248 = vector.extract %reduce_sum3A_247[15] : f32 from vector<16xf32>
      %add3A_249 = arith.addf %add3A_235, %reduce_sum3A_248 : f32
      %get3A_250 = arith.constant 288 : index
      %get3A_251 = tpu.vector_load %arg4[%get3A_250] {strides = array<i32>} : memref<512xf32, #tpu.memory_space<vmem>>, vector<16xf32>,
      %broadcast_in_dim3A_252 = arith.constant true
      %broadcast_in_dim3A_253 = vector.broadcast %broadcast_in_dim3A_252 : i1 to vector<16xi1>
      %masked_cumsum3A_254 = tpu.scan <sum>, %get3A_251 masked %broadcast_in_dim3A_253 : vector<16xf32>, vector<16xi1> -> vector<16xf32>
      %add3A_255 = vector.broadcast %add3A_249 : f32 to vector<16xf32>
      %add3A_256 = arith.addf %masked_cumsum3A_254, %add3A_255 : vector<16xf32>
      %swap3A_257 = arith.constant 288 : index
      %swap3A_258 = tpu.vector_load %arg5[%swap3A_257] {strides = array<i32>} : memref<512xf32, #tpu.memory_space<vmem>>, vector<16xf32>,
      tpu.vector_store %arg5[%swap3A_257], %add3A_256 {strides = array<i32>} : memref<512xf32, #tpu.memory_space<vmem>>, vector<16xf32>,
      %reduce_sum3A_259 = arith.constant true
      %reduce_sum3A_260 = vector.broadcast %reduce_sum3A_259 : i1 to vector<16xi1>
      %reduce_sum3A_261 = tpu.scan <sum>, %get3A_251 masked %reduce_sum3A_260 : vector<16xf32>, vector<16xi1> -> vector<16xf32>
      %reduce_sum3A_262 = vector.extract %reduce_sum3A_261[15] : f32 from vector<16xf32>
      %add3A_263 = arith.addf %add3A_249, %reduce_sum3A_262 : f32
      %get3A_264 = arith.constant 304 : index
      %get3A_265 = tpu.vector_load %arg4[%get3A_264] {strides = array<i32>} : memref<512xf32, #tpu.memory_space<vmem>>, vector<16xf32>,
      %broadcast_in_dim3A_266 = arith.constant true
      %broadcast_in_dim3A_267 = vector.broadcast %broadcast_in_dim3A_266 : i1 to vector<16xi1>
      %masked_cumsum3A_268 = tpu.scan <sum>, %get3A_265 masked %broadcast_in_dim3A_267 : vector<16xf32>, vector<16xi1> -> vector<16xf32>
      %add3A_269 = vector.broadcast %add3A_263 : f32 to vector<16xf32>
      %add3A_270 = arith.addf %masked_cumsum3A_268, %add3A_269 : vector<16xf32>
      %swap3A_271 = arith.constant 304 : index
      %swap3A_272 = tpu.vector_load %arg5[%swap3A_271] {strides = array<i32>} : memref<512xf32, #tpu.memory_space<vmem>>, vector<16xf32>,
      tpu.vector_store %arg5[%swap3A_271], %add3A_270 {strides = array<i32>} : memref<512xf32, #tpu.memory_space<vmem>>, vector<16xf32>,
      %reduce_sum3A_273 = arith.constant true
      %reduce_sum3A_274 = vector.broadcast %reduce_sum3A_273 : i1 to vector<16xi1>
      %reduce_sum3A_275 = tpu.scan <sum>, %get3A_265 masked %reduce_sum3A_274 : vector<16xf32>, vector<16xi1> -> vector<16xf32>
      %reduce_sum3A_276 = vector.extract %reduce_sum3A_275[15] : f32 from vector<16xf32>
      %add3A_277 = arith.addf %add3A_263, %reduce_sum3A_276 : f32
      %get3A_278 = arith.constant 320 : index
      %get3A_279 = tpu.vector_load %arg4[%get3A_278] {strides = array<i32>} : memref<512xf32, #tpu.memory_space<vmem>>, vector<16xf32>,
      %broadcast_in_dim3A_280 = arith.constant true
      %broadcast_in_dim3A_281 = vector.broadcast %broadcast_in_dim3A_280 : i1 to vector<16xi1>
      %masked_cumsum3A_282 = tpu.scan <sum>, %get3A_279 masked %broadcast_in_dim3A_281 : vector<16xf32>, vector<16xi1> -> vector<16xf32>
      %add3A_283 = vector.broadcast %add3A_277 : f32 to vector<16xf32>
      %add3A_284 = arith.addf %masked_cumsum3A_282, %add3A_283 : vector<16xf32>
      %swap3A_285 = arith.constant 320 : index
      %swap3A_286 = tpu.vector_load %arg5[%swap3A_285] {strides = array<i32>} : memref<512xf32, #tpu.memory_space<vmem>>, vector<16xf32>,
      tpu.vector_store %arg5[%swap3A_285], %add3A_284 {strides = array<i32>} : memref<512xf32, #tpu.memory_space<vmem>>, vector<16xf32>,
      %reduce_sum3A_287 = arith.constant true
      %reduce_sum3A_288 = vector.broadcast %reduce_sum3A_287 : i1 to vector<16xi1>
      %reduce_sum3A_289 = tpu.scan <sum>, %get3A_279 masked %reduce_sum3A_288 : vector<16xf32>, vector<16xi1> -> vector<16xf32>
      %reduce_sum3A_290 = vector.extract %reduce_sum3A_289[15] : f32 from vector<16xf32>
      %add3A_291 = arith.addf %add3A_277, %reduce_sum3A_290 : f32
      %get3A_292 = arith.constant 336 : index
      %get3A_293 = tpu.vector_load %arg4[%get3A_292] {strides = array<i32>} : memref<512xf32, #tpu.memory_space<vmem>>, vector<16xf32>,
      %broadcast_in_dim3A_294 = arith.constant true
      %broadcast_in_dim3A_295 = vector.broadcast %broadcast_in_dim3A_294 : i1 to vector<16xi1>
      %masked_cumsum3A_296 = tpu.scan <sum>, %get3A_293 masked %broadcast_in_dim3A_295 : vector<16xf32>, vector<16xi1> -> vector<16xf32>
      %add3A_297 = vector.broadcast %add3A_291 : f32 to vector<16xf32>
      %add3A_298 = arith.addf %masked_cumsum3A_296, %add3A_297 : vector<16xf32>
      %swap3A_299 = arith.constant 336 : index
      %swap3A_300 = tpu.vector_load %arg5[%swap3A_299] {strides = array<i32>} : memref<512xf32, #tpu.memory_space<vmem>>, vector<16xf32>,
      tpu.vector_store %arg5[%swap3A_299], %add3A_298 {strides = array<i32>} : memref<512xf32, #tpu.memory_space<vmem>>, vector<16xf32>,
      %reduce_sum3A_301 = arith.constant true
      %reduce_sum3A_302 = vector.broadcast %reduce_sum3A_301 : i1 to vector<16xi1>
      %reduce_sum3A_303 = tpu.scan <sum>, %get3A_293 masked %reduce_sum3A_302 : vector<16xf32>, vector<16xi1> -> vector<16xf32>
      %reduce_sum3A_304 = vector.extract %reduce_sum3A_303[15] : f32 from vector<16xf32>
      %add3A_305 = arith.addf %add3A_291, %reduce_sum3A_304 : f32
      %get3A_306 = arith.constant 352 : index
      %get3A_307 = tpu.vector_load %arg4[%get3A_306] {strides = array<i32>} : memref<512xf32, #tpu.memory_space<vmem>>, vector<16xf32>,
      %broadcast_in_dim3A_308 = arith.constant true
      %broadcast_in_dim3A_309 = vector.broadcast %broadcast_in_dim3A_308 : i1 to vector<16xi1>
      %masked_cumsum3A_310 = tpu.scan <sum>, %get3A_307 masked %broadcast_in_dim3A_309 : vector<16xf32>, vector<16xi1> -> vector<16xf32>
      %add3A_311 = vector.broadcast %add3A_305 : f32 to vector<16xf32>
      %add3A_312 = arith.addf %masked_cumsum3A_310, %add3A_311 : vector<16xf32>
      %swap3A_313 = arith.constant 352 : index
      %swap3A_314 = tpu.vector_load %arg5[%swap3A_313] {strides = array<i32>} : memref<512xf32, #tpu.memory_space<vmem>>, vector<16xf32>,
      tpu.vector_store %arg5[%swap3A_313], %add3A_312 {strides = array<i32>} : memref<512xf32, #tpu.memory_space<vmem>>, vector<16xf32>,
      %reduce_sum3A_315 = arith.constant true
      %reduce_sum3A_316 = vector.broadcast %reduce_sum3A_315 : i1 to vector<16xi1>
      %reduce_sum3A_317 = tpu.scan <sum>, %get3A_307 masked %reduce_sum3A_316 : vector<16xf32>, vector<16xi1> -> vector<16xf32>
      %reduce_sum3A_318 = vector.extract %reduce_sum3A_317[15] : f32 from vector<16xf32>
      %add3A_319 = arith.addf %add3A_305, %reduce_sum3A_318 : f32
      %get3A_320 = arith.constant 368 : index
      %get3A_321 = tpu.vector_load %arg4[%get3A_320] {strides = array<i32>} : memref<512xf32, #tpu.memory_space<vmem>>, vector<16xf32>,
      %broadcast_in_dim3A_322 = arith.constant true
      %broadcast_in_dim3A_323 = vector.broadcast %broadcast_in_dim3A_322 : i1 to vector<16xi1>
      %masked_cumsum3A_324 = tpu.scan <sum>, %get3A_321 masked %broadcast_in_dim3A_323 : vector<16xf32>, vector<16xi1> -> vector<16xf32>
      %add3A_325 = vector.broadcast %add3A_319 : f32 to vector<16xf32>
      %add3A_326 = arith.addf %masked_cumsum3A_324, %add3A_325 : vector<16xf32>
      %swap3A_327 = arith.constant 368 : index
      %swap3A_328 = tpu.vector_load %arg5[%swap3A_327] {strides = array<i32>} : memref<512xf32, #tpu.memory_space<vmem>>, vector<16xf32>,
      tpu.vector_store %arg5[%swap3A_327], %add3A_326 {strides = array<i32>} : memref<512xf32, #tpu.memory_space<vmem>>, vector<16xf32>,
      %reduce_sum3A_329 = arith.constant true
      %reduce_sum3A_330 = vector.broadcast %reduce_sum3A_329 : i1 to vector<16xi1>
      %reduce_sum3A_331 = tpu.scan <sum>, %get3A_321 masked %reduce_sum3A_330 : vector<16xf32>, vector<16xi1> -> vector<16xf32>
      %reduce_sum3A_332 = vector.extract %reduce_sum3A_331[15] : f32 from vector<16xf32>
      %add3A_333 = arith.addf %add3A_319, %reduce_sum3A_332 : f32
      %get3A_334 = arith.constant 384 : index
      %get3A_335 = tpu.vector_load %arg4[%get3A_334] {strides = array<i32>} : memref<512xf32, #tpu.memory_space<vmem>>, vector<16xf32>,
      %broadcast_in_dim3A_336 = arith.constant true
      %broadcast_in_dim3A_337 = vector.broadcast %broadcast_in_dim3A_336 : i1 to vector<16xi1>
      %masked_cumsum3A_338 = tpu.scan <sum>, %get3A_335 masked %broadcast_in_dim3A_337 : vector<16xf32>, vector<16xi1> -> vector<16xf32>
      %add3A_339 = vector.broadcast %add3A_333 : f32 to vector<16xf32>
      %add3A_340 = arith.addf %masked_cumsum3A_338, %add3A_339 : vector<16xf32>
      %swap3A_341 = arith.constant 384 : index
      %swap3A_342 = tpu.vector_load %arg5[%swap3A_341] {strides = array<i32>} : memref<512xf32, #tpu.memory_space<vmem>>, vector<16xf32>,
      tpu.vector_store %arg5[%swap3A_341], %add3A_340 {strides = array<i32>} : memref<512xf32, #tpu.memory_space<vmem>>, vector<16xf32>,
      %reduce_sum3A_343 = arith.constant true
      %reduce_sum3A_344 = vector.broadcast %reduce_sum3A_343 : i1 to vector<16xi1>
      %reduce_sum3A_345 = tpu.scan <sum>, %get3A_335 masked %reduce_sum3A_344 : vector<16xf32>, vector<16xi1> -> vector<16xf32>
      %reduce_sum3A_346 = vector.extract %reduce_sum3A_345[15] : f32 from vector<16xf32>
      %add3A_347 = arith.addf %add3A_333, %reduce_sum3A_346 : f32
      %get3A_348 = arith.constant 400 : index
      %get3A_349 = tpu.vector_load %arg4[%get3A_348] {strides = array<i32>} : memref<512xf32, #tpu.memory_space<vmem>>, vector<16xf32>,
      %broadcast_in_dim3A_350 = arith.constant true
      %broadcast_in_dim3A_351 = vector.broadcast %broadcast_in_dim3A_350 : i1 to vector<16xi1>
      %masked_cumsum3A_352 = tpu.scan <sum>, %get3A_349 masked %broadcast_in_dim3A_351 : vector<16xf32>, vector<16xi1> -> vector<16xf32>
      %add3A_353 = vector.broadcast %add3A_347 : f32 to vector<16xf32>
      %add3A_354 = arith.addf %masked_cumsum3A_352, %add3A_353 : vector<16xf32>
      %swap3A_355 = arith.constant 400 : index
      %swap3A_356 = tpu.vector_load %arg5[%swap3A_355] {strides = array<i32>} : memref<512xf32, #tpu.memory_space<vmem>>, vector<16xf32>,
      tpu.vector_store %arg5[%swap3A_355], %add3A_354 {strides = array<i32>} : memref<512xf32, #tpu.memory_space<vmem>>, vector<16xf32>,
      %reduce_sum3A_357 = arith.constant true
      %reduce_sum3A_358 = vector.broadcast %reduce_sum3A_357 : i1 to vector<16xi1>
      %reduce_sum3A_359 = tpu.scan <sum>, %get3A_349 masked %reduce_sum3A_358 : vector<16xf32>, vector<16xi1> -> vector<16xf32>
      %reduce_sum3A_360 = vector.extract %reduce_sum3A_359[15] : f32 from vector<16xf32>
      %add3A_361 = arith.addf %add3A_347, %reduce_sum3A_360 : f32
      %get3A_362 = arith.constant 416 : index
      %get3A_363 = tpu.vector_load %arg4[%get3A_362] {strides = array<i32>} : memref<512xf32, #tpu.memory_space<vmem>>, vector<16xf32>,
      %broadcast_in_dim3A_364 = arith.constant true
      %broadcast_in_dim3A_365 = vector.broadcast %broadcast_in_dim3A_364 : i1 to vector<16xi1>
      %masked_cumsum3A_366 = tpu.scan <sum>, %get3A_363 masked %broadcast_in_dim3A_365 : vector<16xf32>, vector<16xi1> -> vector<16xf32>
      %add3A_367 = vector.broadcast %add3A_361 : f32 to vector<16xf32>
      %add3A_368 = arith.addf %masked_cumsum3A_366, %add3A_367 : vector<16xf32>
      %swap3A_369 = arith.constant 416 : index
      %swap3A_370 = tpu.vector_load %arg5[%swap3A_369] {strides = array<i32>} : memref<512xf32, #tpu.memory_space<vmem>>, vector<16xf32>,
      tpu.vector_store %arg5[%swap3A_369], %add3A_368 {strides = array<i32>} : memref<512xf32, #tpu.memory_space<vmem>>, vector<16xf32>,
      %reduce_sum3A_371 = arith.constant true
      %reduce_sum3A_372 = vector.broadcast %reduce_sum3A_371 : i1 to vector<16xi1>
      %reduce_sum3A_373 = tpu.scan <sum>, %get3A_363 masked %reduce_sum3A_372 : vector<16xf32>, vector<16xi1> -> vector<16xf32>
      %reduce_sum3A_374 = vector.extract %reduce_sum3A_373[15] : f32 from vector<16xf32>
      %add3A_375 = arith.addf %add3A_361, %reduce_sum3A_374 : f32
      %get3A_376 = arith.constant 432 : index
      %get3A_377 = tpu.vector_load %arg4[%get3A_376] {strides = array<i32>} : memref<512xf32, #tpu.memory_space<vmem>>, vector<16xf32>,
      %broadcast_in_dim3A_378 = arith.constant true
      %broadcast_in_dim3A_379 = vector.broadcast %broadcast_in_dim3A_378 : i1 to vector<16xi1>
      %masked_cumsum3A_380 = tpu.scan <sum>, %get3A_377 masked %broadcast_in_dim3A_379 : vector<16xf32>, vector<16xi1> -> vector<16xf32>
      %add3A_381 = vector.broadcast %add3A_375 : f32 to vector<16xf32>
      %add3A_382 = arith.addf %masked_cumsum3A_380, %add3A_381 : vector<16xf32>
      %swap3A_383 = arith.constant 432 : index
      %swap3A_384 = tpu.vector_load %arg5[%swap3A_383] {strides = array<i32>} : memref<512xf32, #tpu.memory_space<vmem>>, vector<16xf32>,
      tpu.vector_store %arg5[%swap3A_383], %add3A_382 {strides = array<i32>} : memref<512xf32, #tpu.memory_space<vmem>>, vector<16xf32>,
      %reduce_sum3A_385 = arith.constant true
      %reduce_sum3A_386 = vector.broadcast %reduce_sum3A_385 : i1 to vector<16xi1>
      %reduce_sum3A_387 = tpu.scan <sum>, %get3A_377 masked %reduce_sum3A_386 : vector<16xf32>, vector<16xi1> -> vector<16xf32>
      %reduce_sum3A_388 = vector.extract %reduce_sum3A_387[15] : f32 from vector<16xf32>
      %add3A_389 = arith.addf %add3A_375, %reduce_sum3A_388 : f32
      %get3A_390 = arith.constant 448 : index
      %get3A_391 = tpu.vector_load %arg4[%get3A_390] {strides = array<i32>} : memref<512xf32, #tpu.memory_space<vmem>>, vector<16xf32>,
      %broadcast_in_dim3A_392 = arith.constant true
      %broadcast_in_dim3A_393 = vector.broadcast %broadcast_in_dim3A_392 : i1 to vector<16xi1>
      %masked_cumsum3A_394 = tpu.scan <sum>, %get3A_391 masked %broadcast_in_dim3A_393 : vector<16xf32>, vector<16xi1> -> vector<16xf32>
      %add3A_395 = vector.broadcast %add3A_389 : f32 to vector<16xf32>
      %add3A_396 = arith.addf %masked_cumsum3A_394, %add3A_395 : vector<16xf32>
      %swap3A_397 = arith.constant 448 : index
      %swap3A_398 = tpu.vector_load %arg5[%swap3A_397] {strides = array<i32>} : memref<512xf32, #tpu.memory_space<vmem>>, vector<16xf32>,
      tpu.vector_store %arg5[%swap3A_397], %add3A_396 {strides = array<i32>} : memref<512xf32, #tpu.memory_space<vmem>>, vector<16xf32>,
      %reduce_sum3A_399 = arith.constant true
      %reduce_sum3A_400 = vector.broadcast %reduce_sum3A_399 : i1 to vector<16xi1>
      %reduce_sum3A_401 = tpu.scan <sum>, %get3A_391 masked %reduce_sum3A_400 : vector<16xf32>, vector<16xi1> -> vector<16xf32>
      %reduce_sum3A_402 = vector.extract %reduce_sum3A_401[15] : f32 from vector<16xf32>
      %add3A_403 = arith.addf %add3A_389, %reduce_sum3A_402 : f32
      %get3A_404 = arith.constant 464 : index
      %get3A_405 = tpu.vector_load %arg4[%get3A_404] {strides = array<i32>} : memref<512xf32, #tpu.memory_space<vmem>>, vector<16xf32>,
      %broadcast_in_dim3A_406 = arith.constant true
      %broadcast_in_dim3A_407 = vector.broadcast %broadcast_in_dim3A_406 : i1 to vector<16xi1>
      %masked_cumsum3A_408 = tpu.scan <sum>, %get3A_405 masked %broadcast_in_dim3A_407 : vector<16xf32>, vector<16xi1> -> vector<16xf32>
      %add3A_409 = vector.broadcast %add3A_403 : f32 to vector<16xf32>
      %add3A_410 = arith.addf %masked_cumsum3A_408, %add3A_409 : vector<16xf32>
      %swap3A_411 = arith.constant 464 : index
      %swap3A_412 = tpu.vector_load %arg5[%swap3A_411] {strides = array<i32>} : memref<512xf32, #tpu.memory_space<vmem>>, vector<16xf32>,
      tpu.vector_store %arg5[%swap3A_411], %add3A_410 {strides = array<i32>} : memref<512xf32, #tpu.memory_space<vmem>>, vector<16xf32>,
      %reduce_sum3A_413 = arith.constant true
      %reduce_sum3A_414 = vector.broadcast %reduce_sum3A_413 : i1 to vector<16xi1>
      %reduce_sum3A_415 = tpu.scan <sum>, %get3A_405 masked %reduce_sum3A_414 : vector<16xf32>, vector<16xi1> -> vector<16xf32>
      %reduce_sum3A_416 = vector.extract %reduce_sum3A_415[15] : f32 from vector<16xf32>
      %add3A_417 = arith.addf %add3A_403, %reduce_sum3A_416 : f32
      %get3A_418 = arith.constant 480 : index
      %get3A_419 = tpu.vector_load %arg4[%get3A_418] {strides = array<i32>} : memref<512xf32, #tpu.memory_space<vmem>>, vector<16xf32>,
      %broadcast_in_dim3A_420 = arith.constant true
      %broadcast_in_dim3A_421 = vector.broadcast %broadcast_in_dim3A_420 : i1 to vector<16xi1>
      %masked_cumsum3A_422 = tpu.scan <sum>, %get3A_419 masked %broadcast_in_dim3A_421 : vector<16xf32>, vector<16xi1> -> vector<16xf32>
      %add3A_423 = vector.broadcast %add3A_417 : f32 to vector<16xf32>
      %add3A_424 = arith.addf %masked_cumsum3A_422, %add3A_423 : vector<16xf32>
      %swap3A_425 = arith.constant 480 : index
      %swap3A_426 = tpu.vector_load %arg5[%swap3A_425] {strides = array<i32>} : memref<512xf32, #tpu.memory_space<vmem>>, vector<16xf32>,
      tpu.vector_store %arg5[%swap3A_425], %add3A_424 {strides = array<i32>} : memref<512xf32, #tpu.memory_space<vmem>>, vector<16xf32>,
      %reduce_sum3A_427 = arith.constant true
      %reduce_sum3A_428 = vector.broadcast %reduce_sum3A_427 : i1 to vector<16xi1>
      %reduce_sum3A_429 = tpu.scan <sum>, %get3A_419 masked %reduce_sum3A_428 : vector<16xf32>, vector<16xi1> -> vector<16xf32>
      %reduce_sum3A_430 = vector.extract %reduce_sum3A_429[15] : f32 from vector<16xf32>
      %add3A_431 = arith.addf %add3A_417, %reduce_sum3A_430 : f32
      %get3A_432 = arith.constant 496 : index
      %get3A_433 = tpu.vector_load %arg4[%get3A_432] {strides = array<i32>} : memref<512xf32, #tpu.memory_space<vmem>>, vector<16xf32>,
      %broadcast_in_dim3A_434 = arith.constant true
      %broadcast_in_dim3A_435 = vector.broadcast %broadcast_in_dim3A_434 : i1 to vector<16xi1>
      %masked_cumsum3A_436 = tpu.scan <sum>, %get3A_433 masked %broadcast_in_dim3A_435 : vector<16xf32>, vector<16xi1> -> vector<16xf32>
      %add3A_437 = vector.broadcast %add3A_431 : f32 to vector<16xf32>
      %add3A_438 = arith.addf %masked_cumsum3A_436, %add3A_437 : vector<16xf32>
      %swap3A_439 = arith.constant 496 : index
      %swap3A_440 = tpu.vector_load %arg5[%swap3A_439] {strides = array<i32>} : memref<512xf32, #tpu.memory_space<vmem>>, vector<16xf32>,
      tpu.vector_store %arg5[%swap3A_439], %add3A_438 {strides = array<i32>} : memref<512xf32, #tpu.memory_space<vmem>>, vector<16xf32>,
      %reduce_sum3A_441 = arith.constant true
      %reduce_sum3A_442 = vector.broadcast %reduce_sum3A_441 : i1 to vector<16xi1>
      %reduce_sum3A_443 = tpu.scan <sum>, %get3A_433 masked %reduce_sum3A_442 : vector<16xf32>, vector<16xi1> -> vector<16xf32>
      %reduce_sum3A_444 = vector.extract %reduce_sum3A_443[15] : f32 from vector<16xf32>
      %add3A_445 = arith.addf %add3A_431, %reduce_sum3A_444 : f32
      "tpu.region"() ({
        %run_scoped3A = tpu.sem_alloc : memref<!tpu.dma_semaphore, #tpu.memory_space<semaphore_mem>>
        %dma_start3A = arith.constant 0 : i32
        %dma_start3A_446 = tpu.memref_slice %arg3[%arg1, %dma_start3A] : memref<8x512xf32, #tpu.memory_space<hbm>> -> memref<1x512xf32, #tpu.memory_space<hbm>>
        %dma_start3A_447 = tpu.memref_squeeze %dma_start3A_446 : memref<1x512xf32, #tpu.memory_space<hbm>> -> memref<512xf32, #tpu.memory_space<hbm>>
        %dma_start3A_448 = arith.constant 0 : i32
        %dma_start3A_449 = tpu.memref_slice %arg3[%arg1, %dma_start3A_448] : memref<8x512xf32, #tpu.memory_space<hbm>> -> memref<1x512xf32, #tpu.memory_space<hbm>>
        %dma_start3A_450 = tpu.memref_squeeze %dma_start3A_449 : memref<1x512xf32, #tpu.memory_space<hbm>> -> memref<512xf32, #tpu.memory_space<hbm>>
        tpu.enqueue_dma source(%arg5 : memref<512xf32, #tpu.memory_space<vmem>>) target(%dma_start3A_450 : memref<512xf32, #tpu.memory_space<hbm>>) target_semaphore(%run_scoped3A : memref<!tpu.dma_semaphore, #tpu.memory_space<semaphore_mem>>)
        %dma_wait3A = arith.constant 0 : i32
        %dma_wait3A_451 = tpu.memref_slice %arg3[%arg1, %dma_wait3A] : memref<8x512xf32, #tpu.memory_space<hbm>> -> memref<1x512xf32, #tpu.memory_space<hbm>>
        %dma_wait3A_452 = tpu.memref_squeeze %dma_wait3A_451 : memref<1x512xf32, #tpu.memory_space<hbm>> -> memref<512xf32, #tpu.memory_space<hbm>>
        %dma_wait3A_453 = arith.constant 0 : i32
        %dma_wait3A_454 = tpu.memref_slice %arg3[%arg1, %dma_wait3A_453] : memref<8x512xf32, #tpu.memory_space<hbm>> -> memref<1x512xf32, #tpu.memory_space<hbm>>
        %dma_wait3A_455 = tpu.memref_squeeze %dma_wait3A_454 : memref<1x512xf32, #tpu.memory_space<hbm>> -> memref<512xf32, #tpu.memory_space<hbm>>
        tpu.wait_dma2 semaphore(%run_scoped3A : memref<!tpu.dma_semaphore, #tpu.memory_space<semaphore_mem>>) src(%arg5 : memref<512xf32, #tpu.memory_space<vmem>>) dst(%dma_wait3A_455 : memref<512xf32, #tpu.memory_space<hbm>>)
        tpu.yield
      }) : () -> ()
    } else {
    }
    return
  }
}

</mosaic_0001>

<sc_bundles>
// kernel: kernel.3.cloned.1.call-start
scs
__scs_entry_jumppad:
0x0: {  	(pc) =	sbr.rel $0x88, $3  }
0x1: {  	(tag) =	ssettag $0x0;
	lr =	simm.s32 $0x1  }
0x2: {  	[smem:$0x3FA0] =	sst lr;
	_ =	strace $0xD0000000  }
0x3: {  	_ = 	snop  }
0x4: {  	_ = 	snop  }
0x5: {  	_ = 	snop  }
0x6: {  	_ = 	snop  }
0x7: {  	_ = 	snop  }
__scs_overlays_trampoline_lowered:
0x8: {  	[smem:$0x3FAF] =	sst s0  }
0x9: {  	[smem:$0x3FB0] =	sst s1  }
0xa: {  	[smem:$0x3FB1] =	sst s2  }
0xb: {  	[smem:$0x3FB2] =	sst s3  }
0xc: {  	[smem:$0x3FB3] =	sst s4  }
0xd: {  	[smem:$0x3FB4] =	sst s5  }
0xe: {  	[smem:$0x3FB5] =	sst s6  }
0xf: {  	[smem:$0x3FB6] =	sst s7  }
0x10: {  	[smem:$0x3FB7] =	sst s8  }
0x11: {  	[smem:$0x3FB8] =	sst s9;
	s0 =	simm.s32 @!p0 $0x0  }
0x12: {  	s1 =	sld [smem:$0x3F9E];
	s0 =	simm.s32 @p0 $0x1  }
0x13: {  	[smem:$0x3FB9] =	sst s0;
	s0 =	simm.s32 @!p1 $0x0  }
0x14: {  	s2 =	sld [smem:$0x3F9D];
	s0 =	simm.s32 @p1 $0x1  }
0x15: {  	[smem:$0x3FBA] =	sst s0;
	s0 =	simm.s32 @!p2 $0x0  }
0x16: {  	s3 =	sld [smem:$0x3FDB];
	s0 =	simm.s32 @p2 $0x1  }
0x17: {  	s4 =	simm.s32 $0x1BF5;
	[smem:$0x3FBC] =	sst s0  }
0x18: {  	s0 =	sld [smem:$0x3F9F];
	_ =	swait.ge [sflag:s4], $0x0  }
0x19: {  	s7 =	sld [smem:$0x3FA0]  }
0x1a: {  	s8 =	sadd.s32 $0xFFFFE003, lr  }
0x1b: {  	s9 =	sadd.s32 $0xFFFFFEF7, lr;
	s5 =	simm.s32 $0xFFFFFFFF;
	p2 =	slt.u32 s8, $0xFFFFF086  }
0x1c: {  	p1 =	slt.u32 s9, $0xF7A;
	s5 =	simm.s32 @!p2 $0x0  }
0x1d: {  	s5 =	simm.s32 @p1 $0x1;
	p0 =	seq.s32 s7, s2  }
0x1e: {  	s7 =	smul.u32 @!p0 $0xF7A, s2;
	p2 =	seq.s32 @!p0 s5, $0x0  }
0x1f: {  	s9 =	smul.u32 $0xF7A, s1;
	s8 =	simm.s32 @!p0 $0x1BF5;
	p2 =	por !p2, p0  }
0x20: {  	[sflag:s8] =	ssyncset.s32 @!p0 $0xFFFFF086;
	s6 =	sadd.s32 @!p0 s3, s7;
	s7 =	simm.s32 @!p0 $0x108  }
0x21: {  	s3 =	sadd.s32 s3, s9;
	s6 =	sadd.s32 @!p0 $0x88, s6;
	s7 =	simm.s32 @p2 $0x1082  }
0x22: {  	[simem:s7], [sflag:s8] =	dma.local @!p0 [hbm:s6], $0xF7A  }
0x23: {  	s9 =	sor.u32 $0xD0000000, s2;
	s6 =	simm.s32 $0x108;
	_ =	swait.ge @!p0 [sflag:s8], $0x0  }
0x24: {  	s3 =	sadd.s32 $0x88, s3;
	s6 =	simm.s32 @!p1 $0x1082;
	[sflag:s4] =	ssyncset.s32 $0xFFFFF086  }
0x25: {  	[simem:s6], [sflag:s4] =	dma.local [hbm:s3], $0xF7A  }
0x26: {  	[smem:$0x3FA0] =	sst s1;
	(tag) =	ssettag s2;
	_ =	strace s9  }
0x27: {  	s1 =	sld [smem:$0x3FB0]  }
0x28: {  	s2 =	sld [smem:$0x3FB1]  }
0x29: {  	s4 =	sld [smem:$0x3FB3]  }
0x2a: {  	p0 =	seq.s32 s5, $0x0;
	s5 =	sld [smem:$0x3FB4]  }
0x2b: {  	s6 =	sld [smem:$0x3FB5]  }
0x2c: {  	s7 =	sld [smem:$0x3FB6]  }
0x2d: {  	s3 =	simm.s32 $0x108;
	s8 =	sld [smem:$0x3FB7]  }
0x2e: {  	s3 =	simm.s32 @!p0 $0x1082;
	s9 =	sld [smem:$0x3FB8]  }
0x2f: {  	lr =	sadd.s32 s0, s3;
	s0 =	sld [smem:$0x3FAF]  }
0x30: {  	s3 =	sld [smem:$0x3FB2]  }
0x31: {  	[smem:$0x3FBB] =	sst s10  }
0x32: {  	s10 =	sld [smem:$0x3FB9];
	_ =	sdelay $0x3  }
0x33: {  	p0 =	seq.s32 s10, $0x1;
	s10 =	sld [smem:$0x3FBB];
	_ =	sdelay $0x3  }
0x34: {  	[smem:$0x3FBB] =	sst s10  }
0x35: {  	s10 =	sld [smem:$0x3FBA];
	_ =	sdelay $0x3  }
0x36: {  	p1 =	seq.s32 s10, $0x1;
	s10 =	sld [smem:$0x3FBB];
	_ =	sdelay $0x3  }
0x37: {  	[smem:$0x3FBB] =	sst s10  }
0x38: {  	s10 =	sld [smem:$0x3FBC]  }
0x39: {  	_ = 	snop;
	(pc) =	sbr.ind lr, $3  }
0x3a: {  	_ = 	snop  }
0x3b: {  	_ = 	snop  }
0x3c: {  	p2 =	seq.s32 s10, $0x1;
	s10 =	sld [smem:$0x3FBB]  }
0x3d: {  	_ =	shalt  }
0x3e: {  	_ =	shalt  }
0x3f: {  	_ =	shalt  }
0x40: {  	_ =	shalt  }
0x41: {  	_ =	shalt  }
0x42: {  	_ =	shalt  }
0x43: {  	_ =	shalt  }
0x44: {  	_ =	shalt  }
0x45: {  	_ =	shalt  }
0x46: {  	_ =	shalt  }
0x47: {  	_ =	shalt  }
0x48: {  	_ =	shalt  }
0x49: {  	_ =	shalt  }
0x4a: {  	_ =	shalt  }
0x4b: {  	_ =	shalt  }
0x4c: {  	_ =	shalt  }
0x4d: {  	_ =	shalt  }
0x4e: {  	_ =	shalt  }
0x4f: {  	_ =	shalt  }
0x50: {  	_ =	shalt  }
0x51: {  	_ =	shalt  }
0x52: {  	_ =	shalt  }
0x53: {  	_ =	shalt  }
0x54: {  	_ =	shalt  }
0x55: {  	_ =	shalt  }
0x56: {  	_ =	shalt  }
0x57: {  	_ =	shalt  }
0x58: {  	_ =	shalt  }
0x59: {  	_ =	shalt  }
0x5a: {  	_ =	shalt  }
0x5b: {  	_ =	shalt  }
0x5c: {  	_ =	shalt  }
0x5d: {  	_ =	shalt  }
0x5e: {  	_ =	shalt  }
0x5f: {  	_ =	shalt  }
0x60: {  	_ =	shalt  }
0x61: {  	_ =	shalt  }
0x62: {  	_ =	shalt  }
0x63: {  	_ =	shalt  }
0x64: {  	_ =	shalt  }
0x65: {  	_ =	shalt  }
0x66: {  	_ =	shalt  }
0x67: {  	_ =	shalt  }
0x68: {  	_ =	shalt  }
0x69: {  	_ =	shalt  }
0x6a: {  	_ =	shalt  }
0x6b: {  	_ =	shalt  }
0x6c: {  	_ =	shalt  }
0x6d: {  	_ =	shalt  }
0x6e: {  	_ =	shalt  }
0x6f: {  	_ =	shalt  }
0x70: {  	_ =	shalt  }
0x71: {  	_ =	shalt  }
0x72: {  	_ =	shalt  }
0x73: {  	_ =	shalt  }
0x74: {  	_ =	shalt  }
0x75: {  	_ =	shalt  }
0x76: {  	_ =	shalt  }
0x77: {  	_ =	shalt  }
0x78: {  	_ =	shalt  }
0x79: {  	_ =	shalt  }
0x7a: {  	_ =	shalt  }
0x7b: {  	_ =	shalt  }
0x7c: {  	_ =	shalt  }
0x7d: {  	_ =	shalt  }
0x7e: {  	_ =	shalt  }
0x7f: {  	_ =	shalt  }
0x80: {  	_ =	shalt  }
0x81: {  	_ =	shalt  }
0x82: {  	_ =	shalt  }
0x83: {  	_ =	shalt  }
0x84: {  	_ =	shalt  }
0x85: {  	_ =	shalt  }
0x86: {  	_ =	shalt  }
0x87: {  	_ =	shalt  }
.Lfunc_end0:
.L_simem_size_0:
called_computation_lowered:
.L_overlay_start_0:
0x88: {  	s0 =	sld [smem:$0x3FD9]  }
0x89: {  	s1 =	sld [smem:$0x3FFE];
	_ =	sdelay $0x3  }
0x8a: {  	s0 =	sadd.s32 s1, s0  }
0x8b: {  	[smem:$0x3FC7] =	sst s0  }
0x8c: {  	_ = 	snop  }
0x8d: {  	s0 =	sld [smem:$0x3FC9]  }
0x8e: {  	s17 =	sld [smem:$0x3FD0];
	(tm) =	ssettm $0x1  }
0x8f: {  	s2 =	sld [smem:$0x3FFB];
	_ =	sdelay $0x3  }
0x90: {  	_ =	strace s2  }
0x91: {  	s2 =	sld [smem:$0x3FFC];
	_ =	sdelay $0x3  }
0x92: {  	_ =	strace s2  }
0x93: {  	s2 =	sld [smem:$0x3FFD];
	_ =	sdelay $0x3  }
0x94: {  	_ =	strace s2  }
0x95: {  	_ =	strace $0x8FFFFFFF  }
0x96: {  	s18 =	sld [smem:$0x3FDB];
	_ =	sdelay $0x1  }
0x97: {  	s3 =	simm.s32 $_scs_section_size  }
0x98: {  	s4 =	simm.s32 $_size__tile_overlayer_lowered;
	s5 =	simm.s32 $_tile_overlayer_lowered  }
0x99: {  	s21 =	simm.s32 $0x1BFF;
	s20 =	sshll.u32 s5, $0x1;
	s2 =	sadd.s32 s3, s18  }
0x9a: {  	s6 =	simm.s32 $0x0;
	s19 =	sshll.u32 s4, $0x1;
	s4 =	sadd.s32 s20, s2  }
0x9b: {  	[timem:s6], [sflag:s21] =	dma.local [hbm:s4], s19  }
0x9c: {  	_ =	swait.ge [sflag:s21], s19  }
0x9d: {  	s3 =	ssub.s32 $0x0, s19;
	[sflag:s21] =	ssyncset.done $0x0  }
0x9e: {  	[sflag:s21] =	ssyncadd.s32 s3;
	_ =	sdelay $0x1  }
0x9f: {  	s22 =	simm.s32 $0x1B8B  }
0xa0: {  	_ =	swait.ge [sflag:s22], $0x1  }
0xa1: {  	[sflag:s22] =	ssyncset.done $0x0  }
0xa2: {  	s23 =	simm.s32 $0x1B8E;
	[sflag:s22] =	ssyncadd.s32 $0xFFFFFFFF  }
0xa3: {  	s24 =	simm.s32 $execute0_lowered;
	[smem:$0x3FD2] =	sst s23  }
0xa4: {  	s3 =	sshll.u32 s24, $0x1;
	_ =	strace $0x80000046;
	[dreg:$0x1] =	wrdreg $0xFFFFFFFF  }
0xa5: {  	s25 =	simm.s32 $_size_execute0_lowered;
	s2 =	sadd.s32 s2, s3;
	[dreg:$0x0] =	wrdreg $0x0  }
0xa6: {  	s3 =	sshll.u32 s25, $0x1;
	[dreg:$0x2] =	wrdreg s2  }
0xa7: {  	[dreg:$0x3] =	wrdreg s3  }
0xa8: {  	[dreg:$0x4] =	wrdreg $0xC0  }
0xa9: {  	_ =	task [dreg:s6], $0x5FFFF  }
0xaa: {  	[dreg:$0x1] =	wrdreg $0xFFFFFFFF  }
0xab: {  	[dreg:$0x0] =	wrdreg $0x60  }
0xac: {  	[dreg:$0x2] =	wrdreg s0  }
0xad: {  	[dreg:$0x3] =	wrdreg s17  }
0xae: {  	[dreg:$0x4] =	wrdreg $0x9  }
0xaf: {  	_ =	task.clear_ibuf [dreg:s6], $0x5FFFF;
	_ =	strace $0x90000046  }
0xb0: {  	s26 =	simm.s32 $0x9;
	_ =	strace $0x80000048  }
0xb1: {  	_ =	swait.ge [sflag:s26], $0x1  }
0xb2: {  	[sflag:s26] =	ssyncadd.s32 $0xFFFFFFFF  }
0xb3: {  	_ =	strace $0x90000048  }
0xb4: {  	_ =	sfence  }
0xb5: {  	s28 =	sld [smem:$0x0];
	_ =	sdelay $0x1  }
0xb6: {  	s29 =	srdreg.scid  }
0xb7: {  	s30 =	sshll.u32 s29, $0xD;
	s31 =	sshrl.u32 s29, $0x2  }
0xb8: {  	s1 =	sand.u32 $0x1, s29;
	s2 =	sand.u32 $0x4000, s30;
	s0 =	sadd.s32 s31, s28  }
0xb9: {  	s1 =	sor.u32 s2, s1;
	s0 =	sshll.u32 s0, $0x11  }
0xba: {  	s0 =	sor.u32 s0, s1  }
0xbb: {  	s0 =	sadd.s32 $0x8F2B, s0  }
0xbc: {  	[sflag:s0] =	ssyncadd.remote.s32 $0x1  }
0xbd: {  	_ =	sfence.sel $0xFFFF  }
0xbe: {  	[dreg:$0x0] =	wrdreg $0xFFFFFFFF;
	(pc) =	sbr.abs _section_cstart, $3  }
0xbf: {  	[dreg:$0x1] =	wrdreg $0xFFFFFFFF  }
0xc0: {  	_ =	task.clear_ibuf [dreg:s6], $0x2FFFF;
	_ =	strace $0x9FFFFFFF  }
0xc1: {  	(tm) =	ssettm $0x7FFFFFFF  }
tec
execute0_lowered:
.L_overlay_start_1:
0x0: {  	(tag) =	ssettag $0x1  }
0x1: {  	s1 =	stileid.u32  }
0x2: {  	p0 =	sgt.u32 s1, $0x7  }
.Ltmp0:
0x3: {  	_ = 	snop;
	(pc) =	sbr.rel @p0 .LBB2_2-.Ltmp0, $4  }
0x4: {  	s3 =	rddreg [dreg:$0x0]  }
0x5: {  	s2 =	rddreg [dreg:$0x1];
	s4 =	simm.s32 $0x0  }
0x6: {  	[smem:$0x7FF] =	sst s4  }
0x7: {  	s0 =	rddreg [dreg:$0x2];
	_ =	strace $0x80000047  }
0x8: {  	s5 =	sshll.u32 s1, $0x4  }
0x9: {  	s6 =	simm.s32 $0x400;
	s7 =	sadd.s32 s3, s5;
	s3 =	simm.s32 $0x80  }
0xa: {  	[tilespmem:s4], [sflag:$0x1] =	stream.strided.gather [hbm4b:s7+s3], $0x200, s6, s3, $0x38;
	[tilespmem:$0x400] =	vst v63  }
0xb: {  	s4 =	simm.s32 $0x1  }
0xc: {  	_ =	swait.ge [sflag:s4], $0x200  }
0xd: {  	[sflag:s4] =	ssyncset.done $0x0  }
0xe: {  	[sflag:s4] =	ssyncadd.s32 $0xFFFFFE00  }
0xf: {  	v0 =	vld [tilespmem:$0x0];
	_ =	sdelay $0x1  }
0x10: {  	v1 =	vld [tilespmem:$0x10];
	_ =	sdelay $0x1  }
0x11: {  	v2 =	vld [tilespmem:$0x20]  }
0x12: {  	(xrf2) =	vadd.scan.msk.f32 $0xffff, v0  }
0x13: {  	v37 =	vld [tilespmem:$0x30]  }
0x14: {  	(xrf2) =	vadd.scan.msk.f32 $0xffff, v1  }
0x15: {  	v38 =	vld [tilespmem:$0x40]  }
0x16: {  	(xrf2) =	vadd.scan.msk.f32 $0xffff, v2  }
0x17: {  	v39 =	vld [tilespmem:$0x50]  }
0x18: {  	(xrf2) =	vadd.scan.msk.f32 $0xffff, v37  }
0x19: {  	v3 =	vld [tilespmem:$0x60]  }
0x1a: {  	(xrf2) =	vadd.scan.msk.f32 $0xffff, v38  }
0x1b: {  	v4 =	vld [tilespmem:$0x70]  }
0x1c: {  	v40, _, _ =	vpop (xrf2);
	(xrf2) =	vadd.scan.msk.f32 $0xffff, v39  }
0x1d: {  	v41 =	vld [tilespmem:$0x80];
	(v2sf) =	vpush v40, $0xF  }
0x1e: {  	v5, _, _ =	vpop (xrf2);
	(xrf2) =	vadd.scan.msk.f32 $0xffff, v3  }
0x1f: {  	v42 =	vld [tilespmem:$0x90];
	(v2sf) =	vpush v5, $0xF  }
0x20: {  	v43, _, _ =	vpop (xrf2);
	(xrf2) =	vadd.scan.msk.f32 $0xffff, v4  }
0x21: {  	v44 =	vld [tilespmem:$0xA0];
	(v2sf) =	vpush v43, $0xF  }
0x22: {  	v6, _, _ =	vpop (xrf2);
	(xrf2) =	vadd.scan.msk.f32 $0xffff, v41  }
0x23: {  	v7 =	vld [tilespmem:$0xB0];
	(v2sf) =	vpush v6, $0xF  }
0x24: {  	v45, _, _ =	vpop (xrf2);
	(xrf2) =	vadd.scan.msk.f32 $0xffff, v42  }
0x25: {  	v8 =	vld [tilespmem:$0xC0];
	(v2sf) =	vpush v45, $0xF  }
0x26: {  	v9, _, _ =	vpop (xrf2);
	(xrf2) =	vadd.scan.msk.f32 $0xffff, v44  }
0x27: {  	v46 =	vld [tilespmem:$0xD0];
	(v2sf) =	vpush v9, $0xF  }
0x28: {  	v47, _, _ =	vpop (xrf2);
	(xrf2) =	vadd.scan.msk.f32 $0xffff, v7  }
0x29: {  	v48 =	vld [tilespmem:$0xE0];
	(v2sf) =	vpush v47, $0xF  }
0x2a: {  	v10, _, _ =	vpop (xrf2);
	(xrf2) =	vadd.scan.msk.f32 $0xffff, v8  }
0x2b: {  	v49 =	vld [tilespmem:$0xF0];
	(v2sf) =	vpush v10, $0xF  }
0x2c: {  	v11, _, _ =	vpop (xrf2);
	(xrf2) =	vadd.scan.msk.f32 $0xffff, v46;
	s29 =	spop (v2sf)  }
0x2d: {  	v50 =	vld [tilespmem:$0x100];
	(v2sf) =	vpush v11, $0xF;
	s7 =	sadd.f32 $0.0e+00, s29  }
0x2e: {  	v12, _, _ =	vpop (xrf2);
	(xrf2) =	vadd.scan.msk.f32 $0xffff, v48;
	s8 =	spop (v2sf)  }
0x2f: {  	v51 =	vld [tilespmem:$0x110];
	(v2sf) =	vpush v12, $0xF;
	s8 =	sadd.f32 s8, s7  }
0x30: {  	s9 =	spop (v2sf);
	v13, _, _ =	vpop (xrf2);
	(xrf2) =	vadd.scan.msk.f32 $0xffff, v49  }
0x31: {  	v52 =	vld [tilespmem:$0x120];
	s9 =	sadd.f32 s9, s8;
	(v2sf) =	vpush v13, $0xF  }
0x32: {  	s10 =	spop (v2sf);
	v14, _, _ =	vpop (xrf2);
	(xrf2) =	vadd.scan.msk.f32 $0xffff, v50  }
0x33: {  	v53 =	vld [tilespmem:$0x130];
	(v2sf) =	vpush v14, $0xF;
	s10 =	sadd.f32 s10, s9  }
0x34: {  	s11 =	spop (v2sf);
	v15, _, _ =	vpop (xrf2);
	(xrf2) =	vadd.scan.msk.f32 $0xffff, v51  }
0x35: {  	v54 =	vld [tilespmem:$0x140];
	(v2sf) =	vpush v15, $0xF;
	s11 =	sadd.f32 s11, s10  }
0x36: {  	v16, _, _ =	vpop (xrf2);
	(xrf2) =	vadd.scan.msk.f32 $0xffff, v52;
	s12 =	spop (v2sf)  }
0x37: {  	v55 =	vld [tilespmem:$0x150];
	(v2sf) =	vpush v16, $0xF;
	s12 =	sadd.f32 s12, s11  }
0x38: {  	v17, _, _ =	vpop (xrf2);
	(xrf2) =	vadd.scan.msk.f32 $0xffff, v53;
	s13 =	spop (v2sf)  }
0x39: {  	v56 =	vld [tilespmem:$0x160];
	(v2sf) =	vpush v17, $0xF;
	s13 =	sadd.f32 s13, s12  }
0x3a: {  	s14 =	spop (v2sf);
	v18, _, _ =	vpop (xrf2);
	(xrf2) =	vadd.scan.msk.f32 $0xffff, v54  }
0x3b: {  	v57 =	vld [tilespmem:$0x170];
	s14 =	sadd.f32 s14, s13;
	(v2sf) =	vpush v18, $0xF  }
0x3c: {  	s15 =	spop (v2sf);
	v19, _, _ =	vpop (xrf2);
	(xrf2) =	vadd.scan.msk.f32 $0xffff, v55  }
0x3d: {  	v58 =	vld [tilespmem:$0x180];
	(v2sf) =	vpush v19, $0xF;
	s15 =	sadd.f32 s15, s14  }
0x3e: {  	s16 =	spop (v2sf);
	v20, _, _ =	vpop (xrf2);
	(xrf2) =	vadd.scan.msk.f32 $0xffff, v56  }
0x3f: {  	v59 =	vld [tilespmem:$0x190];
	(v2sf) =	vpush v20, $0xF;
	s16 =	sadd.f32 s16, s15  }
0x40: {  	v21, _, _ =	vpop (xrf2);
	(xrf2) =	vadd.scan.msk.f32 $0xffff, v57;
	s17 =	spop (v2sf)  }
0x41: {  	v60 =	vld [tilespmem:$0x1A0];
	(v2sf) =	vpush v21, $0xF;
	s17 =	sadd.f32 s17, s16  }
0x42: {  	v22, _, _ =	vpop (xrf2);
	(xrf2) =	vadd.scan.msk.f32 $0xffff, v58;
	s18 =	spop (v2sf)  }
0x43: {  	v61 =	vld [tilespmem:$0x1B0];
	(v2sf) =	vpush v22, $0xF;
	s18 =	sadd.f32 s18, s17  }
0x44: {  	s19 =	spop (v2sf);
	v23, _, _ =	vpop (xrf2);
	(xrf2) =	vadd.scan.msk.f32 $0xffff, v59  }
0x45: {  	v62 =	vld [tilespmem:$0x1C0];
	s19 =	sadd.f32 s19, s18;
	(v2sf) =	vpush v23, $0xF  }
0x46: {  	s20 =	spop (v2sf);
	v24, _, _ =	vpop (xrf2);
	(xrf2) =	vadd.scan.msk.f32 $0xffff, v60  }
0x47: {  	v63 =	vld [tilespmem:$0x1D0];
	(v2sf) =	vpush v24, $0xF;
	s20 =	sadd.f32 s20, s19  }
0x48: {  	s21 =	spop (v2sf);
	v25, _, _ =	vpop (xrf2);
	(xrf2) =	vadd.scan.msk.f32 $0xffff, v61  }
0x49: {  	v28 =	vld [tilespmem:$0x1E0];
	(v2sf) =	vpush v25, $0xF;
	s21 =	sadd.f32 s21, s20  }
0x4a: {  	v26, _, _ =	vpop (xrf2);
	(xrf2) =	vadd.scan.msk.f32 $0xffff, v62;
	s22 =	spop (v2sf)  }
0x4b: {  	(v2sf) =	vpush v26, $0xF;
	s22 =	sadd.f32 s22, s21  }
0x4c: {  	v0 =	vadd.f32 $0.0e+00, v40;
	v29, _, _ =	vpop (xrf2);
	(xrf2) =	vadd.scan.msk.f32 $0xffff, v63;
	s23 =	spop (v2sf)  }
0x4d: {  	v5 =	vadd.f32 s7, v5;
	(v2sf) =	vpush v29, $0xF;
	s30 =	sadd.f32 s23, s22  }
0x4e: {  	[tilespmem:$0x200] =	vst v0;
	v1 =	vadd.f32 s8, v43;
	s31 =	spop (v2sf);
	v30, _, _ =	vpop (xrf2);
	(xrf2) =	vadd.scan.msk.f32 $0xffff, v28  }
0x4f: {  	[tilespmem:$0x210] =	vst v5;
	v6 =	vadd.f32 s9, v6;
	s8 =	sadd.f32 s31, s30;
	(v2sf) =	vpush v30, $0xF  }
0x50: {  	[tilespmem:$0x220] =	vst v1;
	v32 =	vadd.f32 s10, v45;
	v31, _, _ =	vpop (xrf2);
	s10 =	spop (v2sf)  }
0x51: {  	[tilespmem:$0x230] =	vst v6;
	v33 =	vadd.f32 s11, v9;
	(v2sf) =	vpush v31, $0xF;
	s9 =	sadd.f32 s10, s8  }
0x52: {  	[tilespmem:$0x240] =	vst v32;
	v35 =	vadd.f32 s12, v47;
	v34, _, _ =	vpop (xrf2);
	s12 =	spop (v2sf)  }
0x53: {  	[tilespmem:$0x250] =	vst v33;
	v36 =	vadd.f32 s13, v10;
	(v2sf) =	vpush v34, $0xF;
	s10 =	sadd.f32 s12, s9  }
0x54: {  	[tilespmem:$0x260] =	vst v35;
	v38 =	vadd.f32 s14, v11;
	v37, _, _ =	vpop (xrf2);
	s14 =	spop (v2sf)  }
0x55: {  	[tilespmem:$0x270] =	vst v36;
	v39 =	vadd.f32 s15, v12;
	(v2sf) =	vpush v37, $0xF;
	s11 =	sadd.f32 s14, s10  }
0x56: {  	[tilespmem:$0x280] =	vst v38;
	v41 =	vadd.f32 s16, v13;
	v40, _, _ =	vpop (xrf2);
	s16 =	spop (v2sf)  }
0x57: {  	[tilespmem:$0x290] =	vst v39;
	v42 =	vadd.f32 s17, v14;
	(v2sf) =	vpush v40, $0xF;
	s12 =	sadd.f32 s16, s11  }
0x58: {  	[tilespmem:$0x2A0] =	vst v41;
	v43 =	vadd.f32 s18, v15;
	s18 =	spop (v2sf);
	v44, _, _ =	vpop (xrf2)  }
0x59: {  	[tilespmem:$0x2B0] =	vst v42;
	v45 =	vadd.f32 s19, v16;
	s13 =	sadd.f32 s18, s12;
	(v2sf) =	vpush v44, $0xF  }
0x5a: {  	[tilespmem:$0x2C0] =	vst v43;
	v46 =	vadd.f32 s20, v17;
	s19 =	spop (v2sf)  }
0x5b: {  	v48 =	vld [tilespmem:$0x1F0];
	[tilespmem:$0x2D0] =	vst v45;
	v47 =	vadd.f32 s21, v18;
	s14 =	sadd.f32 s19, s13  }
0x5c: {  	[tilespmem:$0x2E0] =	vst v46;
	v49 =	vadd.f32 s22, v19;
	s20 =	spop (v2sf)  }
0x5d: {  	[tilespmem:$0x2F0] =	vst v47;
	v50 =	vadd.f32 s30, v20;
	s21 =	sadd.f32 s20, s14  }
0x5e: {  	[tilespmem:$0x300] =	vst v49;
	v51 =	vadd.f32 s8, v21;
	s22 =	spop (v2sf)  }
0x5f: {  	[tilespmem:$0x310] =	vst v50;
	v52 =	vadd.f32 s9, v22;
	s8 =	sadd.f32 s22, s21  }
0x60: {  	[tilespmem:$0x320] =	vst v51;
	v53 =	vadd.f32 s10, v23;
	(xrf2) =	vadd.scan.msk.f32 $0xffff, v48;
	s23 =	spop (v2sf)  }
0x61: {  	[tilespmem:$0x330] =	vst v52;
	v54 =	vadd.f32 s11, v24;
	s9 =	sadd.f32 s23, s8  }
0x62: {  	[tilespmem:$0x340] =	vst v53;
	v55 =	vadd.f32 s12, v25;
	s24 =	spop (v2sf)  }
0x63: {  	[tilespmem:$0x350] =	vst v54;
	v56 =	vadd.f32 s13, v26;
	s10 =	sadd.f32 s24, s9  }
0x64: {  	[tilespmem:$0x360] =	vst v55;
	v57 =	vadd.f32 s14, v29;
	s25 =	spop (v2sf)  }
0x65: {  	[tilespmem:$0x370] =	vst v56;
	v0 =	vadd.f32 s21, v30;
	s26 =	sadd.f32 s25, s10  }
0x66: {  	[tilespmem:$0x380] =	vst v57;
	v58 =	vadd.f32 s8, v31;
	s28 =	spop (v2sf)  }
0x67: {  	[tilespmem:$0x390] =	vst v0;
	v59 =	vadd.f32 s9, v34;
	s8 =	sadd.f32 s28, s26  }
0x68: {  	[tilespmem:$0x3A0] =	vst v58;
	v60 =	vadd.f32 s10, v37;
	s29 =	spop (v2sf)  }
0x69: {  	[tilespmem:$0x3B0] =	vst v59;
	v61 =	vadd.f32 s26, v40;
	s30 =	sadd.f32 s29, s8  }
0x6a: {  	v63, _, _ =	vpop (xrf2);
	[tilespmem:$0x3C0] =	vst v60;
	v62 =	vadd.f32 s8, v44  }
0x6b: {  	[tilespmem:$0x3D0] =	vst v61;
	v0 =	vadd.f32 s30, v63  }
0x6c: {  	[tilespmem:$0x3E0] =	vst v62  }
0x6d: {  	s2 =	sadd.s32 s2, s5;
	s31 =	simm.s32 $0x200;
	[tilespmem:$0x3F0] =	vst v0  }
0x6e: {  	[hbm4b:s2+s3] =	stream.strided.scatter [tilespmem:s31], [sflag:$0x1], $0x200, s6, s3, $0x38;
	[tilespmem:$0x400] =	vst v63  }
0x6f: {  	_ =	swait.ge [sflag:s4], $0x200  }
0x70: {  	[sflag:s4] =	ssyncset.done $0x0  }
0x71: {  	[sflag:s4] =	ssyncadd.s32 $0xFFFFFE00  }
.LBB2_2:
0x72: {  	_ =	sfence.sel $0x180000  }
0x73: {  	[bflag:$0x0] =	sbarrier.arrive $0xFFFF  }
0x74: {  	p0 =	sne.s32 s1, $0x0;
	_ =	strace $0x90000047  }
0x75: {  	s0 =	sadd.s32 @!p0 $0x100000, s0;
	[bflag:$0x2] =	sbarrier.arrive $0xFFFF  }
0x76: {  	[sflag:s0] =	ssyncadd.tile.s32 @!p0 $0x1;
	_ =	shalt  }
.Lfunc_end2:
_tile_overlayer_lowered:
.L_overlay_start_2:
0x77: {  	(tag) =	ssettag $0x2  }
0x78: {  	s0 =	rddreg [dreg:$0x0];
	s2 =	stileid.u32  }
0x79: {  	s1 =	rddreg [dreg:$0x1];
	p0 =	sne.s32 s2, $0x0  }
0x7a: {  	s3 =	rddreg [dreg:$0x2];
	[bflag:$0x3] =	sbarrier.arrive $0xFFFF;
	s2 =	simm.s32 @!p0 $0x1C01  }
0x7b: {  	[timem:s3], [sflag:s2] =	dma.local @!p0 [hbm:s0], s1  }
0x7c: {  	s0 =	simm.s32 @!p0 $0x1  }
0x7d: {  	_ =	swait.ge @!p0 [sflag:s0], s1  }
0x7e: {  	s1 =	ssub.s32 @!p0 $0x0, s1;
	[sflag:s0] =	ssyncset.done @!p0 $0x0  }
0x7f: {  	[sflag:s0] =	ssyncadd.s32 @!p0 s1  }
0x80: {  	[bflag:$0x3] =	sbarrier.arrive $0xFFFF  }
0x81: {  	_ =	shalt  }

</sc_bundles>
